<compile_context>
chip_gen: v7x
topology: tpu7x:2x2x1
jax: 0.10.2.dev20260603
libtpu: 0.0.44.dev20260713+nightly
codegen_flags: <defaults>
</compile_context>

<pallas_src>
import functools

import jax
import jax.numpy as jnp
from jax import lax
from jax.experimental import pallas as pl
from jax.experimental.pallas import tpu as pltpu
from jax.experimental.pallas import tpu_sc as plsc

VOCAB_P1 = 1001
DIM = 128
BATCH = 16384

_NC = 2
_NS = 16
_NW = _NC * _NS
_BPW = BATCH // _NW
_CHUNK = 128
_NCH = _BPW // _CHUNK
_RPT = 64

_mesh = plsc.VectorSubcoreMesh(core_axis_name="c", subcore_axis_name="s")


@functools.partial(
    pl.kernel,
    mesh=_mesh,
    out_type=jax.ShapeDtypeStruct((BATCH, DIM), jnp.float32),
    scratch_types=[
        pltpu.VMEM((_NCH, _CHUNK), jnp.int32),
        pltpu.VMEM((_BPW, DIM), jnp.float32),
        pltpu.VMEM_SHARED((1008, DIM), jnp.float32),
        pltpu.SemaphoreType.DMA,
        pltpu.SemaphoreType.DMA,
        pltpu.SemaphoreType.DMA,
    ],
)
def _gather_kernel(table_hbm, idx_hbm, out_hbm, idx_v, rows_v, table_sh,
                   ssem, gsem, osem):
    sid = lax.axis_index("s")
    wid = sid * _NC + lax.axis_index("c")
    off = jnp.minimum(sid * _RPT, 936)
    stage = pltpu.async_copy(
        table_hbm.at[pl.ds(off, _RPT)], table_sh.at[pl.ds(off, _RPT)], ssem
    )

    @pl.when(sid == 0)
    def _():
        pltpu.sync_copy(table_hbm.at[pl.ds(1000, 1)],
                        table_sh.at[pl.ds(1000, 1)])

    pltpu.sync_copy(idx_hbm.at[pl.ds(wid * _NCH, _NCH)], idx_v)
    stage.wait()
    plsc.subcore_barrier()
    gathers = []
    for j in range(_NCH):
        gathers.append(
            pltpu.async_copy(
                table_sh.at[idx_v.at[j]],
                rows_v.at[pl.ds(j * _CHUNK, _CHUNK)],
                gsem,
            )
        )
    writes = []
    for j in range(_NCH):
        gathers[j].wait()
        writes.append(
            pltpu.async_copy(
                rows_v.at[pl.ds(j * _CHUNK, _CHUNK)],
                out_hbm.at[pl.ds(wid * _BPW + j * _CHUNK, _CHUNK)],
                osem,
            )
        )
    for w in writes:
        w.wait()


def kernel(table, call_idx):
    idx2d = call_idx.reshape(BATCH // _CHUNK, _CHUNK)
    return _gather_kernel(table, idx2d)

# --- scband reference (transcript-rebuilt; emitter-appended) ---
"""Pipeline reference for scband-embedding-dict-46797963657255 (READ-ONLY COPY).

The authoritative reference and input builder live on the scoring server;
editing this copy changes nothing except your own understanding.
"""

import jax, jax.numpy as jnp
import numpy as np

VOCAB = 1000
DIM = 128
BATCH = 16384


def setup_inputs(seed: int = 0) -> dict:
    key = jax.random.key(seed)
    k1, k2 = jax.random.split(key)
    # Embedding table: row 0 is the padding row (all zeros), rows 1..VOCAB are
    # xavier-normal initialized item vectors, matching EmbeddingDict.add_item.
    std = (2.0 / (VOCAB + DIM)) ** 0.5
    table = jax.random.normal(k1, (VOCAB + 1, DIM), dtype=jnp.float32) * std
    table = table.at[0].set(0.0)
    # call_items in the torch module are strings mapped via item2idx to
    # indices in [1, VOCAB]; here we sample the indices directly.
    call_idx = jax.random.randint(k2, (BATCH,), 1, VOCAB + 1, dtype=jnp.int32)
    return {"table": table, "call_idx": call_idx}


def reference(table, call_idx):
    # Faithful translation of forward: embedding lookup (gather rows).
    return jnp.take(table, call_idx, axis=0)

if __name__ == "__main__":
    import jax
    _d = setup_inputs()
    print(jax.jit(kernel)(*tuple(_d.values())))

</pallas_src>

<mosaic_0001>
#map = affine_map<(d0, d1) -> (0, 0)>
module attributes {stable_mosaic.version = 14 : i64} {
  func.func @_gather_kernel(%arg0: i32, %arg1: i32, %arg2: memref<1001x128xf32, #tpu.memory_space<hbm>>, %arg3: memref<128x128xi32, #tpu.memory_space<hbm>>, %arg4: memref<16384x128xf32, #tpu.memory_space<hbm>>, %arg5: memref<4x128xi32, #tpu.memory_space<vmem>>, %arg6: memref<512x128xf32, #tpu.memory_space<vmem>>, %arg7: memref<1008x128xf32, #tpu.memory_space<vmem_shared>>, %arg8: memref<!tpu.dma_semaphore, #tpu.memory_space<semaphore_mem>>, %arg9: memref<!tpu.dma_semaphore, #tpu.memory_space<semaphore_mem>>, %arg10: memref<!tpu.dma_semaphore, #tpu.memory_space<semaphore_mem>>) attributes {dimension_semantics = [#tpu.dimension_semantics<core_parallel>, #tpu.dimension_semantics<subcore_parallel>], iteration_bounds = array<i64: 2, 16>, scalar_prefetch = 0 : i64, scratch_operands = 6 : i64, tpu.core_type = #tpu.core_type<sc_vector_subcore>, window_params = [{transform_indices = #map}, {transform_indices = #map}, {transform_indices = #map}]} {
    %mul3A = arith.constant 2 : i32
    %mul3A_0 = arith.muli %arg1, %mul3A : i32
    %add3A = arith.addi %mul3A_0, %arg0 : i32
    %mul3A_1 = arith.constant 64 : i32
    %mul3A_2 = arith.muli %arg1, %mul3A_1 : i32
    %min3A = arith.constant 936 : i32
    %min3A_3 = arith.minsi %mul3A_2, %min3A : i32
    %dma_start3A = arith.constant 0 : i32
    %dma_start3A_4 = tpu.memref_slice %arg7[%min3A_3, %dma_start3A] : memref<1008x128xf32, #tpu.memory_space<vmem_shared>> -> memref<64x128xf32, #tpu.memory_space<vmem_shared>>
    %dma_start3A_5 = arith.constant 0 : i32
    %dma_start3A_6 = tpu.memref_slice %arg2[%min3A_3, %dma_start3A_5] : memref<1001x128xf32, #tpu.memory_space<hbm>> -> memref<64x128xf32, #tpu.memory_space<hbm>>
    tpu.enqueue_dma source(%dma_start3A_6 : memref<64x128xf32, #tpu.memory_space<hbm>>) target(%dma_start3A_4 : memref<64x128xf32, #tpu.memory_space<vmem_shared>>) target_semaphore(%arg8 : memref<!tpu.dma_semaphore, #tpu.memory_space<semaphore_mem>>)
    %eq3A = arith.constant 0 : i32
    %eq3A_7 = arith.cmpi eq, %arg1, %eq3A : i32
    %convert_element_type3A = arith.extui %eq3A_7 : i1 to i32
    %cond3A = arith.constant 0 : i32
    %cond3A_8 = arith.cmpi ne, %convert_element_type3A, %cond3A : i32
    scf.if %cond3A_8 {
      "tpu.region"() ({
        %run_scoped3A = tpu.sem_alloc : memref<!tpu.dma_semaphore, #tpu.memory_space<semaphore_mem>>
        %dma_start3A_190 = arith.constant 1000 : i32
        %dma_start3A_191 = arith.constant 0 : i32
        %dma_start3A_192 = tpu.memref_slice %arg7[%dma_start3A_190, %dma_start3A_191] : memref<1008x128xf32, #tpu.memory_space<vmem_shared>> -> memref<1x128xf32, #tpu.memory_space<vmem_shared>>
        %dma_start3A_193 = arith.constant 1000 : i32
        %dma_start3A_194 = arith.constant 0 : i32
        %dma_start3A_195 = tpu.memref_slice %arg2[%dma_start3A_193, %dma_start3A_194] : memref<1001x128xf32, #tpu.memory_space<hbm>> -> memref<1x128xf32, #tpu.memory_space<hbm>>
        tpu.enqueue_dma source(%dma_start3A_195 : memref<1x128xf32, #tpu.memory_space<hbm>>) target(%dma_start3A_192 : memref<1x128xf32, #tpu.memory_space<vmem_shared>>) target_semaphore(%run_scoped3A : memref<!tpu.dma_semaphore, #tpu.memory_space<semaphore_mem>>)
        %dma_wait3A_196 = arith.constant 1000 : i32
        %dma_wait3A_197 = arith.constant 0 : i32
        %dma_wait3A_198 = tpu.memref_slice %arg7[%dma_wait3A_196, %dma_wait3A_197] : memref<1008x128xf32, #tpu.memory_space<vmem_shared>> -> memref<1x128xf32, #tpu.memory_space<vmem_shared>>
        %dma_wait3A_199 = arith.constant 1000 : i32
        %dma_wait3A_200 = arith.constant 0 : i32
        %dma_wait3A_201 = tpu.memref_slice %arg2[%dma_wait3A_199, %dma_wait3A_200] : memref<1001x128xf32, #tpu.memory_space<hbm>> -> memref<1x128xf32, #tpu.memory_space<hbm>>
        tpu.wait_dma2 semaphore(%run_scoped3A : memref<!tpu.dma_semaphore, #tpu.memory_space<semaphore_mem>>) src(%dma_wait3A_201 : memref<1x128xf32, #tpu.memory_space<hbm>>) dst(%dma_wait3A_198 : memref<1x128xf32, #tpu.memory_space<vmem_shared>>)
        tpu.yield
      }) : () -> ()
    } else {
    }
    %mul3A_9 = arith.constant 4 : i32
    %mul3A_10 = arith.muli %add3A, %mul3A_9 : i32
    "tpu.region"() ({
      %run_scoped3A = tpu.sem_alloc : memref<!tpu.dma_semaphore, #tpu.memory_space<semaphore_mem>>
      %dma_start3A_190 = arith.constant 0 : i32
      %dma_start3A_191 = tpu.memref_slice %arg3[%mul3A_10, %dma_start3A_190] : memref<128x128xi32, #tpu.memory_space<hbm>> -> memref<4x128xi32, #tpu.memory_space<hbm>>
      %dma_start3A_192 = arith.constant 0 : i32
      %dma_start3A_193 = tpu.memref_slice %arg3[%mul3A_10, %dma_start3A_192] : memref<128x128xi32, #tpu.memory_space<hbm>> -> memref<4x128xi32, #tpu.memory_space<hbm>>
      tpu.enqueue_dma source(%dma_start3A_193 : memref<4x128xi32, #tpu.memory_space<hbm>>) target(%arg5 : memref<4x128xi32, #tpu.memory_space<vmem>>) target_semaphore(%run_scoped3A : memref<!tpu.dma_semaphore, #tpu.memory_space<semaphore_mem>>)
      %dma_wait3A_194 = arith.constant 0 : i32
      %dma_wait3A_195 = tpu.memref_slice %arg3[%mul3A_10, %dma_wait3A_194] : memref<128x128xi32, #tpu.memory_space<hbm>> -> memref<4x128xi32, #tpu.memory_space<hbm>>
      %dma_wait3A_196 = arith.constant 0 : i32
      %dma_wait3A_197 = tpu.memref_slice %arg3[%mul3A_10, %dma_wait3A_196] : memref<128x128xi32, #tpu.memory_space<hbm>> -> memref<4x128xi32, #tpu.memory_space<hbm>>
      tpu.wait_dma2 semaphore(%run_scoped3A : memref<!tpu.dma_semaphore, #tpu.memory_space<semaphore_mem>>) src(%dma_wait3A_197 : memref<4x128xi32, #tpu.memory_space<hbm>>) dst(%arg5 : memref<4x128xi32, #tpu.memory_space<vmem>>)
      tpu.yield
    }) : () -> ()
    %dma_wait3A = arith.constant 0 : i32
    %dma_wait3A_11 = tpu.memref_slice %arg7[%min3A_3, %dma_wait3A] : memref<1008x128xf32, #tpu.memory_space<vmem_shared>> -> memref<64x128xf32, #tpu.memory_space<vmem_shared>>
    %dma_wait3A_12 = arith.constant 0 : i32
    %dma_wait3A_13 = tpu.memref_slice %arg2[%min3A_3, %dma_wait3A_12] : memref<1001x128xf32, #tpu.memory_space<hbm>> -> memref<64x128xf32, #tpu.memory_space<hbm>>
    tpu.wait_dma2 semaphore(%arg8 : memref<!tpu.dma_semaphore, #tpu.memory_space<semaphore_mem>>) src(%dma_wait3A_13 : memref<64x128xf32, #tpu.memory_space<hbm>>) dst(%dma_wait3A_11 : memref<64x128xf32, #tpu.memory_space<vmem_shared>>)
    %barrier3A = arith.constant 0 : index
    tpu.barrier barrier_id(%barrier3A)
    %dma_start3A_14 = arith.constant 0 : i32
    %dma_start3A_15 = arith.constant 0 : i32
    %dma_start3A_16 = arith.constant 0 : i32
    %dma_start3A_17 = tpu.memref_slice %arg6[%dma_start3A_15, %dma_start3A_16] : memref<512x128xf32, #tpu.memory_space<vmem>> -> memref<128x128xf32, #tpu.memory_space<vmem>>
    %dma_start3A_18 = arith.constant 0 : i32
    %dma_start3A_19 = tpu.memref_slice %arg5[%dma_start3A_14, %dma_start3A_18] : memref<4x128xi32, #tpu.memory_space<vmem>> -> memref<1x128xi32, #tpu.memory_space<vmem>>
    %dma_start3A_20 = tpu.memref_squeeze %dma_start3A_19 : memref<1x128xi32, #tpu.memory_space<vmem>> -> memref<128xi32, #tpu.memory_space<vmem>>
    %dma_start3A_21 = arith.constant 0 : i32
    %dma_start3A_22 = arith.constant 0 : i32
    %dma_start3A_23 = tpu.memref_slice %arg7[%dma_start3A_21, %dma_start3A_22] : memref<1008x128xf32, #tpu.memory_space<vmem_shared>> -> memref<1008x128xf32, #tpu.memory_space<vmem_shared>>
    tpu.enqueue_indirect_dma source(%dma_start3A_23 : memref<1008x128xf32, #tpu.memory_space<vmem_shared>>) target(%dma_start3A_17 : memref<128x128xf32, #tpu.memory_space<vmem>>) offsets(%dma_start3A_20 : memref<128xi32, #tpu.memory_space<vmem>>) semaphore(%arg9 : memref<!tpu.dma_semaphore, #tpu.memory_space<semaphore_mem>>)
    %dma_start3A_24 = arith.constant 1 : i32
    %dma_start3A_25 = arith.constant 128 : i32
    %dma_start3A_26 = arith.constant 0 : i32
    %dma_start3A_27 = tpu.memref_slice %arg6[%dma_start3A_25, %dma_start3A_26] : memref<512x128xf32, #tpu.memory_space<vmem>> -> memref<128x128xf32, #tpu.memory_space<vmem>>
    %dma_start3A_28 = arith.constant 0 : i32
    %dma_start3A_29 = tpu.memref_slice %arg5[%dma_start3A_24, %dma_start3A_28] : memref<4x128xi32, #tpu.memory_space<vmem>> -> memref<1x128xi32, #tpu.memory_space<vmem>>
    %dma_start3A_30 = tpu.memref_squeeze %dma_start3A_29 : memref<1x128xi32, #tpu.memory_space<vmem>> -> memref<128xi32, #tpu.memory_space<vmem>>
    %dma_start3A_31 = arith.constant 0 : i32
    %dma_start3A_32 = arith.constant 0 : i32
    %dma_start3A_33 = tpu.memref_slice %arg7[%dma_start3A_31, %dma_start3A_32] : memref<1008x128xf32, #tpu.memory_space<vmem_shared>> -> memref<1008x128xf32, #tpu.memory_space<vmem_shared>>
    tpu.enqueue_indirect_dma source(%dma_start3A_33 : memref<1008x128xf32, #tpu.memory_space<vmem_shared>>) target(%dma_start3A_27 : memref<128x128xf32, #tpu.memory_space<vmem>>) offsets(%dma_start3A_30 : memref<128xi32, #tpu.memory_space<vmem>>) semaphore(%arg9 : memref<!tpu.dma_semaphore, #tpu.memory_space<semaphore_mem>>)
    %dma_start3A_34 = arith.constant 2 : i32
    %dma_start3A_35 = arith.constant 256 : i32
    %dma_start3A_36 = arith.constant 0 : i32
    %dma_start3A_37 = tpu.memref_slice %arg6[%dma_start3A_35, %dma_start3A_36] : memref<512x128xf32, #tpu.memory_space<vmem>> -> memref<128x128xf32, #tpu.memory_space<vmem>>
    %dma_start3A_38 = arith.constant 0 : i32
    %dma_start3A_39 = tpu.memref_slice %arg5[%dma_start3A_34, %dma_start3A_38] : memref<4x128xi32, #tpu.memory_space<vmem>> -> memref<1x128xi32, #tpu.memory_space<vmem>>
    %dma_start3A_40 = tpu.memref_squeeze %dma_start3A_39 : memref<1x128xi32, #tpu.memory_space<vmem>> -> memref<128xi32, #tpu.memory_space<vmem>>
    %dma_start3A_41 = arith.constant 0 : i32
    %dma_start3A_42 = arith.constant 0 : i32
    %dma_start3A_43 = tpu.memref_slice %arg7[%dma_start3A_41, %dma_start3A_42] : memref<1008x128xf32, #tpu.memory_space<vmem_shared>> -> memref<1008x128xf32, #tpu.memory_space<vmem_shared>>
    tpu.enqueue_indirect_dma source(%dma_start3A_43 : memref<1008x128xf32, #tpu.memory_space<vmem_shared>>) target(%dma_start3A_37 : memref<128x128xf32, #tpu.memory_space<vmem>>) offsets(%dma_start3A_40 : memref<128xi32, #tpu.memory_space<vmem>>) semaphore(%arg9 : memref<!tpu.dma_semaphore, #tpu.memory_space<semaphore_mem>>)
    %dma_start3A_44 = arith.constant 3 : i32
    %dma_start3A_45 = arith.constant 384 : i32
    %dma_start3A_46 = arith.constant 0 : i32
    %dma_start3A_47 = tpu.memref_slice %arg6[%dma_start3A_45, %dma_start3A_46] : memref<512x128xf32, #tpu.memory_space<vmem>> -> memref<128x128xf32, #tpu.memory_space<vmem>>
    %dma_start3A_48 = arith.constant 0 : i32
    %dma_start3A_49 = tpu.memref_slice %arg5[%dma_start3A_44, %dma_start3A_48] : memref<4x128xi32, #tpu.memory_space<vmem>> -> memref<1x128xi32, #tpu.memory_space<vmem>>
    %dma_start3A_50 = tpu.memref_squeeze %dma_start3A_49 : memref<1x128xi32, #tpu.memory_space<vmem>> -> memref<128xi32, #tpu.memory_space<vmem>>
    %dma_start3A_51 = arith.constant 0 : i32
    %dma_start3A_52 = arith.constant 0 : i32
    %dma_start3A_53 = tpu.memref_slice %arg7[%dma_start3A_51, %dma_start3A_52] : memref<1008x128xf32, #tpu.memory_space<vmem_shared>> -> memref<1008x128xf32, #tpu.memory_space<vmem_shared>>
    tpu.enqueue_indirect_dma source(%dma_start3A_53 : memref<1008x128xf32, #tpu.memory_space<vmem_shared>>) target(%dma_start3A_47 : memref<128x128xf32, #tpu.memory_space<vmem>>) offsets(%dma_start3A_50 : memref<128xi32, #tpu.memory_space<vmem>>) semaphore(%arg9 : memref<!tpu.dma_semaphore, #tpu.memory_space<semaphore_mem>>)
    %dma_wait3A_54 = arith.constant 0 : i32
    %dma_wait3A_55 = arith.constant 0 : i32
    %dma_wait3A_56 = arith.constant 0 : i32
    %dma_wait3A_57 = tpu.memref_slice %arg6[%dma_wait3A_55, %dma_wait3A_56] : memref<512x128xf32, #tpu.memory_space<vmem>> -> memref<128x128xf32, #tpu.memory_space<vmem>>
    %dma_wait3A_58 = arith.constant 0 : i32
    %dma_wait3A_59 = tpu.memref_slice %arg5[%dma_wait3A_54, %dma_wait3A_58] : memref<4x128xi32, #tpu.memory_space<vmem>> -> memref<1x128xi32, #tpu.memory_space<vmem>>
    %dma_wait3A_60 = tpu.memref_squeeze %dma_wait3A_59 : memref<1x128xi32, #tpu.memory_space<vmem>> -> memref<128xi32, #tpu.memory_space<vmem>>
    %dma_wait3A_61 = arith.constant 0 : i32
    %dma_wait3A_62 = arith.constant 0 : i32
    %dma_wait3A_63 = tpu.memref_slice %arg7[%dma_wait3A_61, %dma_wait3A_62] : memref<1008x128xf32, #tpu.memory_space<vmem_shared>> -> memref<1008x128xf32, #tpu.memory_space<vmem_shared>>
    tpu.wait_indirect_dma semaphore(%arg9 : memref<!tpu.dma_semaphore, #tpu.memory_space<semaphore_mem>>) src(%dma_wait3A_63 : memref<1008x128xf32, #tpu.memory_space<vmem_shared>>) dst(%dma_wait3A_57 : memref<128x128xf32, #tpu.memory_space<vmem>>)
    %mul3A_64 = arith.constant 512 : i32
    %mul3A_65 = arith.muli %add3A, %mul3A_64 : i32
    %add3A_66 = arith.constant 0 : i32
    %add3A_67 = arith.addi %mul3A_65, %add3A_66 : i32
    %dma_start3A_68 = arith.constant 0 : i32
    %dma_start3A_69 = arith.constant 0 : i32
    %dma_start3A_70 = tpu.memref_slice %arg6[%dma_start3A_68, %dma_start3A_69] : memref<512x128xf32, #tpu.memory_space<vmem>> -> memref<128x128xf32, #tpu.memory_space<vmem>>
    %dma_start3A_71 = arith.constant 0 : i32
    %dma_start3A_72 = tpu.memref_slice %arg4[%add3A_67, %dma_start3A_71] : memref<16384x128xf32, #tpu.memory_space<hbm>> -> memref<128x128xf32, #tpu.memory_space<hbm>>
    %dma_start3A_73 = arith.constant 0 : i32
    %dma_start3A_74 = tpu.memref_slice %arg4[%add3A_67, %dma_start3A_73] : memref<16384x128xf32, #tpu.memory_space<hbm>> -> memref<128x128xf32, #tpu.memory_space<hbm>>
    %dma_start3A_75 = arith.constant 0 : i32
    %dma_start3A_76 = arith.constant 0 : i32
    %dma_start3A_77 = tpu.memref_slice %arg6[%dma_start3A_75, %dma_start3A_76] : memref<512x128xf32, #tpu.memory_space<vmem>> -> memref<128x128xf32, #tpu.memory_space<vmem>>
    tpu.enqueue_dma source(%dma_start3A_77 : memref<128x128xf32, #tpu.memory_space<vmem>>) target(%dma_start3A_74 : memref<128x128xf32, #tpu.memory_space<hbm>>) target_semaphore(%arg10 : memref<!tpu.dma_semaphore, #tpu.memory_space<semaphore_mem>>)
    %dma_wait3A_78 = arith.constant 1 : i32
    %dma_wait3A_79 = arith.constant 128 : i32
    %dma_wait3A_80 = arith.constant 0 : i32
    %dma_wait3A_81 = tpu.memref_slice %arg6[%dma_wait3A_79, %dma_wait3A_80] : memref<512x128xf32, #tpu.memory_space<vmem>> -> memref<128x128xf32, #tpu.memory_space<vmem>>
    %dma_wait3A_82 = arith.constant 0 : i32
    %dma_wait3A_83 = tpu.memref_slice %arg5[%dma_wait3A_78, %dma_wait3A_82] : memref<4x128xi32, #tpu.memory_space<vmem>> -> memref<1x128xi32, #tpu.memory_space<vmem>>
    %dma_wait3A_84 = tpu.memref_squeeze %dma_wait3A_83 : memref<1x128xi32, #tpu.memory_space<vmem>> -> memref<128xi32, #tpu.memory_space<vmem>>
    %dma_wait3A_85 = arith.constant 0 : i32
    %dma_wait3A_86 = arith.constant 0 : i32
    %dma_wait3A_87 = tpu.memref_slice %arg7[%dma_wait3A_85, %dma_wait3A_86] : memref<1008x128xf32, #tpu.memory_space<vmem_shared>> -> memref<1008x128xf32, #tpu.memory_space<vmem_shared>>
    tpu.wait_indirect_dma semaphore(%arg9 : memref<!tpu.dma_semaphore, #tpu.memory_space<semaphore_mem>>) src(%dma_wait3A_87 : memref<1008x128xf32, #tpu.memory_space<vmem_shared>>) dst(%dma_wait3A_81 : memref<128x128xf32, #tpu.memory_space<vmem>>)
    %mul3A_88 = arith.constant 512 : i32
    %mul3A_89 = arith.muli %add3A, %mul3A_88 : i32
    %add3A_90 = arith.constant 128 : i32
    %add3A_91 = arith.addi %mul3A_89, %add3A_90 : i32
    %dma_start3A_92 = arith.constant 128 : i32
    %dma_start3A_93 = arith.constant 0 : i32
    %dma_start3A_94 = tpu.memref_slice %arg6[%dma_start3A_92, %dma_start3A_93] : memref<512x128xf32, #tpu.memory_space<vmem>> -> memref<128x128xf32, #tpu.memory_space<vmem>>
    %dma_start3A_95 = arith.constant 0 : i32
    %dma_start3A_96 = tpu.memref_slice %arg4[%add3A_91, %dma_start3A_95] : memref<16384x128xf32, #tpu.memory_space<hbm>> -> memref<128x128xf32, #tpu.memory_space<hbm>>
    %dma_start3A_97 = arith.constant 0 : i32
    %dma_start3A_98 = tpu.memref_slice %arg4[%add3A_91, %dma_start3A_97] : memref<16384x128xf32, #tpu.memory_space<hbm>> -> memref<128x128xf32, #tpu.memory_space<hbm>>
    %dma_start3A_99 = arith.constant 128 : i32
    %dma_start3A_100 = arith.constant 0 : i32
    %dma_start3A_101 = tpu.memref_slice %arg6[%dma_start3A_99, %dma_start3A_100] : memref<512x128xf32, #tpu.memory_space<vmem>> -> memref<128x128xf32, #tpu.memory_space<vmem>>
    tpu.enqueue_dma source(%dma_start3A_101 : memref<128x128xf32, #tpu.memory_space<vmem>>) target(%dma_start3A_98 : memref<128x128xf32, #tpu.memory_space<hbm>>) target_semaphore(%arg10 : memref<!tpu.dma_semaphore, #tpu.memory_space<semaphore_mem>>)
    %dma_wait3A_102 = arith.constant 2 : i32
    %dma_wait3A_103 = arith.constant 256 : i32
    %dma_wait3A_104 = arith.constant 0 : i32
    %dma_wait3A_105 = tpu.memref_slice %arg6[%dma_wait3A_103, %dma_wait3A_104] : memref<512x128xf32, #tpu.memory_space<vmem>> -> memref<128x128xf32, #tpu.memory_space<vmem>>
    %dma_wait3A_106 = arith.constant 0 : i32
    %dma_wait3A_107 = tpu.memref_slice %arg5[%dma_wait3A_102, %dma_wait3A_106] : memref<4x128xi32, #tpu.memory_space<vmem>> -> memref<1x128xi32, #tpu.memory_space<vmem>>
    %dma_wait3A_108 = tpu.memref_squeeze %dma_wait3A_107 : memref<1x128xi32, #tpu.memory_space<vmem>> -> memref<128xi32, #tpu.memory_space<vmem>>
    %dma_wait3A_109 = arith.constant 0 : i32
    %dma_wait3A_110 = arith.constant 0 : i32
    %dma_wait3A_111 = tpu.memref_slice %arg7[%dma_wait3A_109, %dma_wait3A_110] : memref<1008x128xf32, #tpu.memory_space<vmem_shared>> -> memref<1008x128xf32, #tpu.memory_space<vmem_shared>>
    tpu.wait_indirect_dma semaphore(%arg9 : memref<!tpu.dma_semaphore, #tpu.memory_space<semaphore_mem>>) src(%dma_wait3A_111 : memref<1008x128xf32, #tpu.memory_space<vmem_shared>>) dst(%dma_wait3A_105 : memref<128x128xf32, #tpu.memory_space<vmem>>)
    %mul3A_112 = arith.constant 512 : i32
    %mul3A_113 = arith.muli %add3A, %mul3A_112 : i32
    %add3A_114 = arith.constant 256 : i32
    %add3A_115 = arith.addi %mul3A_113, %add3A_114 : i32
    %dma_start3A_116 = arith.constant 256 : i32
    %dma_start3A_117 = arith.constant 0 : i32
    %dma_start3A_118 = tpu.memref_slice %arg6[%dma_start3A_116, %dma_start3A_117] : memref<512x128xf32, #tpu.memory_space<vmem>> -> memref<128x128xf32, #tpu.memory_space<vmem>>
    %dma_start3A_119 = arith.constant 0 : i32
    %dma_start3A_120 = tpu.memref_slice %arg4[%add3A_115, %dma_start3A_119] : memref<16384x128xf32, #tpu.memory_space<hbm>> -> memref<128x128xf32, #tpu.memory_space<hbm>>
    %dma_start3A_121 = arith.constant 0 : i32
    %dma_start3A_122 = tpu.memref_slice %arg4[%add3A_115, %dma_start3A_121] : memref<16384x128xf32, #tpu.memory_space<hbm>> -> memref<128x128xf32, #tpu.memory_space<hbm>>
    %dma_start3A_123 = arith.constant 256 : i32
    %dma_start3A_124 = arith.constant 0 : i32
    %dma_start3A_125 = tpu.memref_slice %arg6[%dma_start3A_123, %dma_start3A_124] : memref<512x128xf32, #tpu.memory_space<vmem>> -> memref<128x128xf32, #tpu.memory_space<vmem>>
    tpu.enqueue_dma source(%dma_start3A_125 : memref<128x128xf32, #tpu.memory_space<vmem>>) target(%dma_start3A_122 : memref<128x128xf32, #tpu.memory_space<hbm>>) target_semaphore(%arg10 : memref<!tpu.dma_semaphore, #tpu.memory_space<semaphore_mem>>)
    %dma_wait3A_126 = arith.constant 3 : i32
    %dma_wait3A_127 = arith.constant 384 : i32
    %dma_wait3A_128 = arith.constant 0 : i32
    %dma_wait3A_129 = tpu.memref_slice %arg6[%dma_wait3A_127, %dma_wait3A_128] : memref<512x128xf32, #tpu.memory_space<vmem>> -> memref<128x128xf32, #tpu.memory_space<vmem>>
    %dma_wait3A_130 = arith.constant 0 : i32
    %dma_wait3A_131 = tpu.memref_slice %arg5[%dma_wait3A_126, %dma_wait3A_130] : memref<4x128xi32, #tpu.memory_space<vmem>> -> memref<1x128xi32, #tpu.memory_space<vmem>>
    %dma_wait3A_132 = tpu.memref_squeeze %dma_wait3A_131 : memref<1x128xi32, #tpu.memory_space<vmem>> -> memref<128xi32, #tpu.memory_space<vmem>>
    %dma_wait3A_133 = arith.constant 0 : i32
    %dma_wait3A_134 = arith.constant 0 : i32
    %dma_wait3A_135 = tpu.memref_slice %arg7[%dma_wait3A_133, %dma_wait3A_134] : memref<1008x128xf32, #tpu.memory_space<vmem_shared>> -> memref<1008x128xf32, #tpu.memory_space<vmem_shared>>
    tpu.wait_indirect_dma semaphore(%arg9 : memref<!tpu.dma_semaphore, #tpu.memory_space<semaphore_mem>>) src(%dma_wait3A_135 : memref<1008x128xf32, #tpu.memory_space<vmem_shared>>) dst(%dma_wait3A_129 : memref<128x128xf32, #tpu.memory_space<vmem>>)
    %mul3A_136 = arith.constant 512 : i32
    %mul3A_137 = arith.muli %add3A, %mul3A_136 : i32
    %add3A_138 = arith.constant 384 : i32
    %add3A_139 = arith.addi %mul3A_137, %add3A_138 : i32
    %dma_start3A_140 = arith.constant 384 : i32
    %dma_start3A_141 = arith.constant 0 : i32
    %dma_start3A_142 = tpu.memref_slice %arg6[%dma_start3A_140, %dma_start3A_141] : memref<512x128xf32, #tpu.memory_space<vmem>> -> memref<128x128xf32, #tpu.memory_space<vmem>>
    %dma_start3A_143 = arith.constant 0 : i32
    %dma_start3A_144 = tpu.memref_slice %arg4[%add3A_139, %dma_start3A_143] : memref<16384x128xf32, #tpu.memory_space<hbm>> -> memref<128x128xf32, #tpu.memory_space<hbm>>
    %dma_start3A_145 = arith.constant 0 : i32
    %dma_start3A_146 = tpu.memref_slice %arg4[%add3A_139, %dma_start3A_145] : memref<16384x128xf32, #tpu.memory_space<hbm>> -> memref<128x128xf32, #tpu.memory_space<hbm>>
    %dma_start3A_147 = arith.constant 384 : i32
    %dma_start3A_148 = arith.constant 0 : i32
    %dma_start3A_149 = tpu.memref_slice %arg6[%dma_start3A_147, %dma_start3A_148] : memref<512x128xf32, #tpu.memory_space<vmem>> -> memref<128x128xf32, #tpu.memory_space<vmem>>
    tpu.enqueue_dma source(%dma_start3A_149 : memref<128x128xf32, #tpu.memory_space<vmem>>) target(%dma_start3A_146 : memref<128x128xf32, #tpu.memory_space<hbm>>) target_semaphore(%arg10 : memref<!tpu.dma_semaphore, #tpu.memory_space<semaphore_mem>>)
    %dma_wait3A_150 = arith.constant 0 : i32
    %dma_wait3A_151 = arith.constant 0 : i32
    %dma_wait3A_152 = tpu.memref_slice %arg6[%dma_wait3A_150, %dma_wait3A_151] : memref<512x128xf32, #tpu.memory_space<vmem>> -> memref<128x128xf32, #tpu.memory_space<vmem>>
    %dma_wait3A_153 = arith.constant 0 : i32
    %dma_wait3A_154 = tpu.memref_slice %arg4[%add3A_67, %dma_wait3A_153] : memref<16384x128xf32, #tpu.memory_space<hbm>> -> memref<128x128xf32, #tpu.memory_space<hbm>>
    %dma_wait3A_155 = arith.constant 0 : i32
    %dma_wait3A_156 = tpu.memref_slice %arg4[%add3A_67, %dma_wait3A_155] : memref<16384x128xf32, #tpu.memory_space<hbm>> -> memref<128x128xf32, #tpu.memory_space<hbm>>
    %dma_wait3A_157 = arith.constant 0 : i32
    %dma_wait3A_158 = arith.constant 0 : i32
    %dma_wait3A_159 = tpu.memref_slice %arg6[%dma_wait3A_157, %dma_wait3A_158] : memref<512x128xf32, #tpu.memory_space<vmem>> -> memref<128x128xf32, #tpu.memory_space<vmem>>
    tpu.wait_dma2 semaphore(%arg10 : memref<!tpu.dma_semaphore, #tpu.memory_space<semaphore_mem>>) src(%dma_wait3A_159 : memref<128x128xf32, #tpu.memory_space<vmem>>) dst(%dma_wait3A_156 : memref<128x128xf32, #tpu.memory_space<hbm>>)
    %dma_wait3A_160 = arith.constant 128 : i32
    %dma_wait3A_161 = arith.constant 0 : i32
    %dma_wait3A_162 = tpu.memref_slice %arg6[%dma_wait3A_160, %dma_wait3A_161] : memref<512x128xf32, #tpu.memory_space<vmem>> -> memref<128x128xf32, #tpu.memory_space<vmem>>
    %dma_wait3A_163 = arith.constant 0 : i32
    %dma_wait3A_164 = tpu.memref_slice %arg4[%add3A_91, %dma_wait3A_163] : memref<16384x128xf32, #tpu.memory_space<hbm>> -> memref<128x128xf32, #tpu.memory_space<hbm>>
    %dma_wait3A_165 = arith.constant 0 : i32
    %dma_wait3A_166 = tpu.memref_slice %arg4[%add3A_91, %dma_wait3A_165] : memref<16384x128xf32, #tpu.memory_space<hbm>> -> memref<128x128xf32, #tpu.memory_space<hbm>>
    %dma_wait3A_167 = arith.constant 128 : i32
    %dma_wait3A_168 = arith.constant 0 : i32
    %dma_wait3A_169 = tpu.memref_slice %arg6[%dma_wait3A_167, %dma_wait3A_168] : memref<512x128xf32, #tpu.memory_space<vmem>> -> memref<128x128xf32, #tpu.memory_space<vmem>>
    tpu.wait_dma2 semaphore(%arg10 : memref<!tpu.dma_semaphore, #tpu.memory_space<semaphore_mem>>) src(%dma_wait3A_169 : memref<128x128xf32, #tpu.memory_space<vmem>>) dst(%dma_wait3A_166 : memref<128x128xf32, #tpu.memory_space<hbm>>)
    %dma_wait3A_170 = arith.constant 256 : i32
    %dma_wait3A_171 = arith.constant 0 : i32
    %dma_wait3A_172 = tpu.memref_slice %arg6[%dma_wait3A_170, %dma_wait3A_171] : memref<512x128xf32, #tpu.memory_space<vmem>> -> memref<128x128xf32, #tpu.memory_space<vmem>>
    %dma_wait3A_173 = arith.constant 0 : i32
    %dma_wait3A_174 = tpu.memref_slice %arg4[%add3A_115, %dma_wait3A_173] : memref<16384x128xf32, #tpu.memory_space<hbm>> -> memref<128x128xf32, #tpu.memory_space<hbm>>
    %dma_wait3A_175 = arith.constant 0 : i32
    %dma_wait3A_176 = tpu.memref_slice %arg4[%add3A_115, %dma_wait3A_175] : memref<16384x128xf32, #tpu.memory_space<hbm>> -> memref<128x128xf32, #tpu.memory_space<hbm>>
    %dma_wait3A_177 = arith.constant 256 : i32
    %dma_wait3A_178 = arith.constant 0 : i32
    %dma_wait3A_179 = tpu.memref_slice %arg6[%dma_wait3A_177, %dma_wait3A_178] : memref<512x128xf32, #tpu.memory_space<vmem>> -> memref<128x128xf32, #tpu.memory_space<vmem>>
    tpu.wait_dma2 semaphore(%arg10 : memref<!tpu.dma_semaphore, #tpu.memory_space<semaphore_mem>>) src(%dma_wait3A_179 : memref<128x128xf32, #tpu.memory_space<vmem>>) dst(%dma_wait3A_176 : memref<128x128xf32, #tpu.memory_space<hbm>>)
    %dma_wait3A_180 = arith.constant 384 : i32
    %dma_wait3A_181 = arith.constant 0 : i32
    %dma_wait3A_182 = tpu.memref_slice %arg6[%dma_wait3A_180, %dma_wait3A_181] : memref<512x128xf32, #tpu.memory_space<vmem>> -> memref<128x128xf32, #tpu.memory_space<vmem>>
    %dma_wait3A_183 = arith.constant 0 : i32
    %dma_wait3A_184 = tpu.memref_slice %arg4[%add3A_139, %dma_wait3A_183] : memref<16384x128xf32, #tpu.memory_space<hbm>> -> memref<128x128xf32, #tpu.memory_space<hbm>>
    %dma_wait3A_185 = arith.constant 0 : i32
    %dma_wait3A_186 = tpu.memref_slice %arg4[%add3A_139, %dma_wait3A_185] : memref<16384x128xf32, #tpu.memory_space<hbm>> -> memref<128x128xf32, #tpu.memory_space<hbm>>
    %dma_wait3A_187 = arith.constant 384 : i32
    %dma_wait3A_188 = arith.constant 0 : i32
    %dma_wait3A_189 = tpu.memref_slice %arg6[%dma_wait3A_187, %dma_wait3A_188] : memref<512x128xf32, #tpu.memory_space<vmem>> -> memref<128x128xf32, #tpu.memory_space<vmem>>
    tpu.wait_dma2 semaphore(%arg10 : memref<!tpu.dma_semaphore, #tpu.memory_space<semaphore_mem>>) src(%dma_wait3A_189 : memref<128x128xf32, #tpu.memory_space<vmem>>) dst(%dma_wait3A_186 : memref<128x128xf32, #tpu.memory_space<hbm>>)
    return
  }
}

</mosaic_0001>

<sc_bundles>
// kernel: kernel.3.cloned.1.call-start
scs
__scs_entry_jumppad:
0x0: {  	(pc) =	sbr.rel $0x88, $3  }
0x1: {  	(tag) =	ssettag $0x0;
	lr =	simm.s32 $0x1  }
0x2: {  	[smem:$0x3F9F] =	sst lr;
	_ =	strace $0xD0000000  }
0x3: {  	_ = 	snop  }
0x4: {  	_ = 	snop  }
0x5: {  	_ = 	snop  }
0x6: {  	_ = 	snop  }
0x7: {  	_ = 	snop  }
__scs_overlays_trampoline_lowered:
0x8: {  	[smem:$0x3FAE] =	sst s0  }
0x9: {  	[smem:$0x3FAF] =	sst s1  }
0xa: {  	[smem:$0x3FB0] =	sst s2  }
0xb: {  	[smem:$0x3FB1] =	sst s3  }
0xc: {  	[smem:$0x3FB2] =	sst s4  }
0xd: {  	[smem:$0x3FB3] =	sst s5  }
0xe: {  	[smem:$0x3FB4] =	sst s6  }
0xf: {  	[smem:$0x3FB5] =	sst s7  }
0x10: {  	[smem:$0x3FB6] =	sst s8  }
0x11: {  	[smem:$0x3FB7] =	sst s9;
	s0 =	simm.s32 @!p0 $0x0  }
0x12: {  	s1 =	sld [smem:$0x3F9D];
	s0 =	simm.s32 @p0 $0x1  }
0x13: {  	[smem:$0x3FB8] =	sst s0;
	s0 =	simm.s32 @!p1 $0x0  }
0x14: {  	s2 =	sld [smem:$0x3F9C];
	s0 =	simm.s32 @p1 $0x1  }
0x15: {  	[smem:$0x3FB9] =	sst s0;
	s0 =	simm.s32 @!p2 $0x0  }
0x16: {  	s3 =	sld [smem:$0x3FDB];
	s0 =	simm.s32 @p2 $0x1  }
0x17: {  	s4 =	simm.s32 $0x1BF5;
	[smem:$0x3FBB] =	sst s0  }
0x18: {  	s0 =	sld [smem:$0x3F9E];
	_ =	swait.ge [sflag:s4], $0x0  }
0x19: {  	s7 =	sld [smem:$0x3F9F]  }
0x1a: {  	s8 =	sadd.s32 $0xFFFFE003, lr  }
0x1b: {  	s9 =	sadd.s32 $0xFFFFFEF7, lr;
	s5 =	simm.s32 $0xFFFFFFFF;
	p2 =	slt.u32 s8, $0xFFFFF086  }
0x1c: {  	p1 =	slt.u32 s9, $0xF7A;
	s5 =	simm.s32 @!p2 $0x0  }
0x1d: {  	s5 =	simm.s32 @p1 $0x1;
	p0 =	seq.s32 s7, s2  }
0x1e: {  	s7 =	smul.u32 @!p0 $0xF7A, s2;
	p2 =	seq.s32 @!p0 s5, $0x0  }
0x1f: {  	s9 =	smul.u32 $0xF7A, s1;
	s8 =	simm.s32 @!p0 $0x1BF5;
	p2 =	por !p2, p0  }
0x20: {  	[sflag:s8] =	ssyncset.s32 @!p0 $0xFFFFF086;
	s6 =	sadd.s32 @!p0 s3, s7;
	s7 =	simm.s32 @!p0 $0x108  }
0x21: {  	s3 =	sadd.s32 s3, s9;
	s6 =	sadd.s32 @!p0 $0x88, s6;
	s7 =	simm.s32 @p2 $0x1082  }
0x22: {  	[simem:s7], [sflag:s8] =	dma.local @!p0 [hbm:s6], $0xF7A  }
0x23: {  	s9 =	sor.u32 $0xD0000000, s2;
	s6 =	simm.s32 $0x108;
	_ =	swait.ge @!p0 [sflag:s8], $0x0  }
0x24: {  	s3 =	sadd.s32 $0x88, s3;
	s6 =	simm.s32 @!p1 $0x1082;
	[sflag:s4] =	ssyncset.s32 $0xFFFFF086  }
0x25: {  	[simem:s6], [sflag:s4] =	dma.local [hbm:s3], $0xF7A  }
0x26: {  	[smem:$0x3F9F] =	sst s1;
	(tag) =	ssettag s2;
	_ =	strace s9  }
0x27: {  	s1 =	sld [smem:$0x3FAF]  }
0x28: {  	s2 =	sld [smem:$0x3FB0]  }
0x29: {  	s4 =	sld [smem:$0x3FB2]  }
0x2a: {  	p0 =	seq.s32 s5, $0x0;
	s5 =	sld [smem:$0x3FB3]  }
0x2b: {  	s6 =	sld [smem:$0x3FB4]  }
0x2c: {  	s7 =	sld [smem:$0x3FB5]  }
0x2d: {  	s3 =	simm.s32 $0x108;
	s8 =	sld [smem:$0x3FB6]  }
0x2e: {  	s3 =	simm.s32 @!p0 $0x1082;
	s9 =	sld [smem:$0x3FB7]  }
0x2f: {  	lr =	sadd.s32 s0, s3;
	s0 =	sld [smem:$0x3FAE]  }
0x30: {  	s3 =	sld [smem:$0x3FB1]  }
0x31: {  	[smem:$0x3FBA] =	sst s10  }
0x32: {  	s10 =	sld [smem:$0x3FB8];
	_ =	sdelay $0x3  }
0x33: {  	p0 =	seq.s32 s10, $0x1;
	s10 =	sld [smem:$0x3FBA];
	_ =	sdelay $0x3  }
0x34: {  	[smem:$0x3FBA] =	sst s10  }
0x35: {  	s10 =	sld [smem:$0x3FB9];
	_ =	sdelay $0x3  }
0x36: {  	p1 =	seq.s32 s10, $0x1;
	s10 =	sld [smem:$0x3FBA];
	_ =	sdelay $0x3  }
0x37: {  	[smem:$0x3FBA] =	sst s10  }
0x38: {  	s10 =	sld [smem:$0x3FBB]  }
0x39: {  	_ = 	snop;
	(pc) =	sbr.ind lr, $3  }
0x3a: {  	_ = 	snop  }
0x3b: {  	_ = 	snop  }
0x3c: {  	p2 =	seq.s32 s10, $0x1;
	s10 =	sld [smem:$0x3FBA]  }
0x3d: {  	_ =	shalt  }
0x3e: {  	_ =	shalt  }
0x3f: {  	_ =	shalt  }
0x40: {  	_ =	shalt  }
0x41: {  	_ =	shalt  }
0x42: {  	_ =	shalt  }
0x43: {  	_ =	shalt  }
0x44: {  	_ =	shalt  }
0x45: {  	_ =	shalt  }
0x46: {  	_ =	shalt  }
0x47: {  	_ =	shalt  }
0x48: {  	_ =	shalt  }
0x49: {  	_ =	shalt  }
0x4a: {  	_ =	shalt  }
0x4b: {  	_ =	shalt  }
0x4c: {  	_ =	shalt  }
0x4d: {  	_ =	shalt  }
0x4e: {  	_ =	shalt  }
0x4f: {  	_ =	shalt  }
0x50: {  	_ =	shalt  }
0x51: {  	_ =	shalt  }
0x52: {  	_ =	shalt  }
0x53: {  	_ =	shalt  }
0x54: {  	_ =	shalt  }
0x55: {  	_ =	shalt  }
0x56: {  	_ =	shalt  }
0x57: {  	_ =	shalt  }
0x58: {  	_ =	shalt  }
0x59: {  	_ =	shalt  }
0x5a: {  	_ =	shalt  }
0x5b: {  	_ =	shalt  }
0x5c: {  	_ =	shalt  }
0x5d: {  	_ =	shalt  }
0x5e: {  	_ =	shalt  }
0x5f: {  	_ =	shalt  }
0x60: {  	_ =	shalt  }
0x61: {  	_ =	shalt  }
0x62: {  	_ =	shalt  }
0x63: {  	_ =	shalt  }
0x64: {  	_ =	shalt  }
0x65: {  	_ =	shalt  }
0x66: {  	_ =	shalt  }
0x67: {  	_ =	shalt  }
0x68: {  	_ =	shalt  }
0x69: {  	_ =	shalt  }
0x6a: {  	_ =	shalt  }
0x6b: {  	_ =	shalt  }
0x6c: {  	_ =	shalt  }
0x6d: {  	_ =	shalt  }
0x6e: {  	_ =	shalt  }
0x6f: {  	_ =	shalt  }
0x70: {  	_ =	shalt  }
0x71: {  	_ =	shalt  }
0x72: {  	_ =	shalt  }
0x73: {  	_ =	shalt  }
0x74: {  	_ =	shalt  }
0x75: {  	_ =	shalt  }
0x76: {  	_ =	shalt  }
0x77: {  	_ =	shalt  }
0x78: {  	_ =	shalt  }
0x79: {  	_ =	shalt  }
0x7a: {  	_ =	shalt  }
0x7b: {  	_ =	shalt  }
0x7c: {  	_ =	shalt  }
0x7d: {  	_ =	shalt  }
0x7e: {  	_ =	shalt  }
0x7f: {  	_ =	shalt  }
0x80: {  	_ =	shalt  }
0x81: {  	_ =	shalt  }
0x82: {  	_ =	shalt  }
0x83: {  	_ =	shalt  }
0x84: {  	_ =	shalt  }
0x85: {  	_ =	shalt  }
0x86: {  	_ =	shalt  }
0x87: {  	_ =	shalt  }
.Lfunc_end0:
.L_simem_size_0:
called_computation_lowered:
.L_overlay_start_0:
0x88: {  	s2 =	sld [smem:$0x3FD9]  }
0x89: {  	s3 =	sld [smem:$0x3FFE];
	_ =	sdelay $0x1  }
0x8a: {  	s1 =	srdreg.scid  }
0x8b: {  	s0 =	sand.u32 $0x1, s1  }
0x8c: {  	s18 =	sshll.u32 s0, $0xA;
	s2 =	sadd.s32 s3, s2  }
0x8d: {  	s2 =	sadd.s32 s2, s18  }
0x8e: {  	[smem:$0x3FC6] =	sst s2  }
0x8f: {  	_ = 	snop  }
0x90: {  	s2 =	sld [smem:$0x3FC9]  }
0x91: {  	s19 =	sld [smem:$0x3FC8]  }
0x92: {  	s4 =	sld [smem:$0x3FD0];
	(tm) =	ssettm $0x1  }
0x93: {  	s5 =	sld [smem:$0x3FFB];
	_ =	sdelay $0x3  }
0x94: {  	_ =	strace s5  }
0x95: {  	s5 =	sld [smem:$0x3FFC];
	_ =	sdelay $0x3  }
0x96: {  	_ =	strace s5  }
0x97: {  	s5 =	sld [smem:$0x3FFD];
	_ =	sdelay $0x3  }
0x98: {  	_ =	strace s5  }
0x99: {  	_ =	strace $0x8FFFFFFF  }
0x9a: {  	s20 =	sld [smem:$0x3FDB];
	_ =	sdelay $0x1  }
0x9b: {  	s6 =	simm.s32 $_scs_section_size  }
0x9c: {  	s7 =	simm.s32 $_size__tile_overlayer_lowered;
	s8 =	simm.s32 $_tile_overlayer_lowered  }
0x9d: {  	s23 =	simm.s32 $0x1BFF;
	s22 =	sshll.u32 s8, $0x1;
	s5 =	sadd.s32 s6, s20  }
0x9e: {  	s9 =	simm.s32 $0x0;
	s21 =	sshll.u32 s7, $0x1;
	s7 =	sadd.s32 s22, s5  }
0x9f: {  	[timem:s9], [sflag:s23] =	dma.local [hbm:s7], s21  }
0xa0: {  	_ =	swait.ge [sflag:s23], s21  }
0xa1: {  	s6 =	ssub.s32 $0x0, s21;
	[sflag:s23] =	ssyncset.done $0x0  }
0xa2: {  	[sflag:s23] =	ssyncadd.s32 s6;
	_ =	sdelay $0x1  }
0xa3: {  	s24 =	simm.s32 $0x1B8B  }
0xa4: {  	_ =	swait.ge [sflag:s24], $0x1  }
0xa5: {  	[sflag:s24] =	ssyncset.done $0x0  }
0xa6: {  	s25 =	simm.s32 $0x1B8E;
	[sflag:s24] =	ssyncadd.s32 $0xFFFFFFFF  }
0xa7: {  	s26 =	simm.s32 $execute0_lowered;
	[smem:$0x3FD2] =	sst s25  }
0xa8: {  	s6 =	sshll.u32 s26, $0x1;
	_ =	strace $0x80000046;
	[dreg:$0x1] =	wrdreg $0xFFFFFFFF  }
0xa9: {  	s28 =	simm.s32 $_size_execute0_lowered;
	s5 =	sadd.s32 s5, s6;
	[dreg:$0x0] =	wrdreg $0x0  }
0xaa: {  	s6 =	sshll.u32 s28, $0x1;
	[dreg:$0x2] =	wrdreg s5  }
0xab: {  	[dreg:$0x3] =	wrdreg s6  }
0xac: {  	[dreg:$0x4] =	wrdreg $0xC0  }
0xad: {  	_ =	task [dreg:s9], $0x5FFFF  }
0xae: {  	[dreg:$0x1] =	wrdreg $0xFFFFFFFF  }
0xaf: {  	[dreg:$0x0] =	wrdreg $0x60  }
0xb0: {  	[dreg:$0x2] =	wrdreg s2  }
0xb1: {  	[dreg:$0x3] =	wrdreg s19  }
0xb2: {  	[dreg:$0x4] =	wrdreg s4  }
0xb3: {  	[dreg:$0x5] =	wrdreg $0x102000  }
0xb4: {  	[dreg:$0x6] =	wrdreg $0x9  }
0xb5: {  	_ =	task.clear_ibuf [dreg:s9], $0x7FFFF;
	_ =	strace $0x90000046  }
0xb6: {  	s29 =	simm.s32 $0x9;
	_ =	strace $0x80000048  }
0xb7: {  	_ =	swait.ge [sflag:s29], $0x1  }
0xb8: {  	[sflag:s29] =	ssyncadd.s32 $0xFFFFFFFF  }
0xb9: {  	_ =	strace $0x90000048  }
0xba: {  	_ =	sfence  }
0xbb: {  	s30 =	sld [smem:$0x0];
	_ =	sdelay $0x2  }
0xbc: {  	s31 =	sshll.u32 s1, $0xD;
	s1 =	sshrl.u32 s1, $0x2  }
0xbd: {  	s3 =	sand.u32 $0x4000, s31;
	s1 =	sadd.s32 s1, s30  }
0xbe: {  	s0 =	sor.u32 s3, s0;
	s1 =	sshll.u32 s1, $0x11  }
0xbf: {  	s0 =	sor.u32 s1, s0  }
0xc0: {  	s0 =	sadd.s32 $0x8F2B, s0  }
0xc1: {  	[sflag:s0] =	ssyncadd.remote.s32 $0x1  }
0xc2: {  	_ =	sfence.sel $0xFFFF  }
0xc3: {  	[dreg:$0x0] =	wrdreg $0xFFFFFFFF;
	(pc) =	sbr.abs _section_cstart, $3  }
0xc4: {  	[dreg:$0x1] =	wrdreg $0xFFFFFFFF  }
0xc5: {  	_ =	task.clear_ibuf [dreg:s9], $0x2FFFF;
	_ =	strace $0x9FFFFFFF  }
0xc6: {  	(tm) =	ssettm $0x7FFFFFFF  }
0xc7: {  	_ =	shalt  }
tec
execute0_lowered:
.L_overlay_start_1:
0x0: {  	(tag) =	ssettag $0x1  }
0x1: {  	s5 =	rddreg [dreg:$0x0]  }
0x2: {  	s10 =	rddreg [dreg:$0x1]  }
0x3: {  	s21 =	rddreg [dreg:$0x2]  }
0x4: {  	s1 =	rddreg [dreg:$0x3]  }
0x5: {  	s22 =	stileid.u32;
	s0 =	rddreg [dreg:$0x4];
	s2 =	simm.s32 $0x0  }
0x6: {  	s6 =	srdreg.scid;
	s4 =	sshll.u32 s22, $0x6;
	[smem:$0x7FF] =	sst s2  }
0x7: {  	s26 =	sand.u32 $0x1, s6;
	p0 =	sne.s32 s22, $0x0;
	s3 =	smin.u32 s4, $0x3A8  }
0x8: {  	_ =	strace $0x80000047;
	s4 =	sor.u32 $0x1C01, s4;
	s8 =	simm.s32 @!p0 $0x1C04  }
0x9: {  	s9 =	simm.s32 @!p0 $0x4;
	s7 =	sshll.u32 s3, $0x7;
	s3 =	sshll.u32 s3, $0x4  }
0xa: {  	s31 =	sadd.s32 s7, s1;
	s3 =	sadd.s32 s5, s3;
	s7 =	sadd.s32 $0x1F400, s1  }
0xb: {  	s5 =	sadd.s32 $0x3E80, s5;
	s6 =	sshrl.u32 s31, $0x3;
	s7 =	sshrl.u32 @!p0 s7, $0x3  }
0xc: {  	[spmem:s6], [sflag:s4] =	dma.local [hbm:s3], $0x400  }
0xd: {  	[spmem:s7], [sflag:s8] =	dma.local @!p0 [hbm:s5], $0x10  }
0xe: {  	s11 =	sshll.u32 s26, $0x6;
	_ =	swait.ge @!p0 [sflag:s9], $0x10  }
0xf: {  	s12 =	sshll.u32 s22, $0x7;
	s10 =	sadd.s32 s10, s11;
	[sflag:s9] =	ssyncset.done @!p0 $0x0  }
0x10: {  	s11 =	simm.s32 $0x4;
	s10 =	sadd.s32 s12, s10;
	[sflag:s9] =	ssyncadd.s32 @!p0 $0xFFFFFFF0  }
0x11: {  	[tilespmem:s2], [sflag:$0x4] =	stream.linear.gather [hbm4b:s10+s2], $0x200, $0x38;
	[tilespmem:$0x12180] =	vst v63  }
0x12: {  	_ =	swait.ge [sflag:s11], $0x200  }
0x13: {  	[sflag:s11] =	ssyncset.done $0x0  }
0x14: {  	s12 =	simm.s32 $0x1;
	[sflag:s11] =	ssyncadd.s32 $0xFFFFFE00  }
0x15: {  	_ =	swait.ge [sflag:s12], $0x400  }
0x16: {  	[sflag:s12] =	ssyncset.done $0x0  }
0x17: {  	[sflag:s12] =	ssyncadd.s32 $0xFFFFFC00  }
0x18: {  	s13 =	simm.s32 $0x80;
	s14 =	simm.s32 $0x200;
	[bflag:$0x0] =	sbarrier.arrive $0xFFFF  }
0x19: {  	[tilespmem:s14], [sflag:$0x2] =	stream.indirect.gather [spmem:s1], $0x80, s2, s13, $0xb8;
	[tilespmem:$0x12180] =	vst v63  }
0x1a: {  	s15 =	simm.s32 $0x4200  }
0x1b: {  	[tilespmem:s15], [sflag:$0x2] =	stream.indirect.gather [spmem:s1], $0x80, s13, s13, $0xb8;
	[tilespmem:$0x12180] =	vst v63  }
0x1c: {  	s16 =	simm.s32 $0x100;
	s17 =	simm.s32 $0x8200  }
0x1d: {  	[tilespmem:s17], [sflag:$0x2] =	stream.indirect.gather [spmem:s1], $0x80, s16, s13, $0xb8;
	[tilespmem:$0x12180] =	vst v63  }
0x1e: {  	s18 =	simm.s32 $0x180;
	s19 =	simm.s32 $0xC200;
	s20 =	simm.s32 $0x2  }
0x1f: {  	[tilespmem:s19], [sflag:$0x2] =	stream.indirect.gather [spmem:s1], $0x80, s18, s13, $0xb8;
	[tilespmem:$0x12180] =	vst v63  }
0x20: {  	s22 =	sshll.u32 s22, $0xE;
	s23 =	sshll.u32 s26, $0xD;
	_ =	swait.ge [sflag:s20], $0x4000  }
0x21: {  	s22 =	sor.u32 s23, s22;
	[sflag:s20] =	ssyncset.done $0x0  }
0x22: {  	s21 =	sadd.s32 s21, s22;
	[sflag:s20] =	ssyncadd.s32 $0xFFFFC000  }
0x23: {  	[hbm4b:s21+s2] =	stream.linear.scatter [tilespmem:s14], [sflag:$0x3], $0x4000, $0x38;
	[tilespmem:$0x12180] =	vst v63  }
0x24: {  	_ =	swait.ge [sflag:s20], $0x4000  }
0x25: {  	[sflag:s20] =	ssyncset.done $0x0  }
0x26: {  	s22 =	sadd.s32 $0x800, s21;
	[sflag:s20] =	ssyncadd.s32 $0xFFFFC000  }
0x27: {  	[hbm4b:s22+s2] =	stream.linear.scatter [tilespmem:s15], [sflag:$0x3], $0x4000, $0x38;
	[tilespmem:$0x12180] =	vst v63  }
0x28: {  	_ =	swait.ge [sflag:s20], $0x4000  }
0x29: {  	[sflag:s20] =	ssyncset.done $0x0  }
0x2a: {  	s23 =	sadd.s32 $0x1000, s21;
	[sflag:s20] =	ssyncadd.s32 $0xFFFFC000  }
0x2b: {  	[hbm4b:s23+s2] =	stream.linear.scatter [tilespmem:s17], [sflag:$0x3], $0x4000, $0x38;
	[tilespmem:$0x12180] =	vst v63  }
0x2c: {  	_ =	swait.ge [sflag:s20], $0x4000  }
0x2d: {  	[sflag:s20] =	ssyncset.done $0x0  }
0x2e: {  	s25 =	simm.s32 $0x3;
	s24 =	sadd.s32 $0x1800, s21;
	[sflag:s20] =	ssyncadd.s32 $0xFFFFC000  }
0x2f: {  	[hbm4b:s24+s2] =	stream.linear.scatter [tilespmem:s19], [sflag:$0x3], $0x4000, $0x38;
	[tilespmem:$0x12180] =	vst v63  }
0x30: {  	s26 =	ssub.s32 $0x2, s26;
	_ =	swait.ge [sflag:s25], $0x4000  }
0x31: {  	s28 =	sshrl.u32 s26, $0x1;
	[sflag:s25] =	ssyncset.done $0x0  }
0x32: {  	s26 =	ssub.s32 s26, s28;
	[sflag:s25] =	ssyncadd.s32 $0xFFFFC000  }
0x33: {  	s26 =	smax.u32 s26, $0x1;
	_ =	swait.ge [sflag:s25], $0x4000  }
0x34: {  	s26 =	sadd.s32 $0xFFFFFFFF, s26;
	[sflag:s25] =	ssyncset.done $0x0  }
0x35: {  	p1 =	sne.s32 s26, $0x0;
	[sflag:s25] =	ssyncadd.s32 $0xFFFFC000  }
.Ltmp0:
0x36: {  	_ =	swait.ge [sflag:s25], $0x4000;
	(pc) =	sbr.rel @!p1 .LBB2_2-.Ltmp0, $4  }
0x37: {  	[sflag:s25] =	ssyncset.done $0x0  }
0x38: {  	[sflag:s25] =	ssyncadd.s32 $0xFFFFC000  }
0x39: {  	_ =	swait.ge [sflag:s25], $0x4000  }
0x3a: {  	[sflag:s25] =	ssyncset.done $0x0  }
.LBB2_1:
0x3b: {  	[sflag:s25] =	ssyncadd.s32 $0xFFFFC000  }
0x3c: {  	[spmem:s6], [sflag:s4] =	dma.local [hbm:s3], $0x400  }
0x3d: {  	[spmem:s7], [sflag:s8] =	dma.local @!p0 [hbm:s5], $0x10  }
0x3e: {  	s26 =	sadd.s32 $0xFFFFFFFF, s26;
	_ =	swait.ge @!p0 [sflag:s9], $0x10  }
0x3f: {  	p1 =	sne.s32 s26, $0x0;
	[sflag:s9] =	ssyncset.done @!p0 $0x0  }
0x40: {  	[sflag:s9] =	ssyncadd.s32 @!p0 $0xFFFFFFF0  }
0x41: {  	[tilespmem:s2], [sflag:$0x4] =	stream.linear.gather [hbm4b:s10+s2], $0x200, $0x38;
	[tilespmem:$0x12180] =	vst v63  }
0x42: {  	_ =	swait.ge [sflag:s11], $0x200  }
0x43: {  	[sflag:s11] =	ssyncset.done $0x0  }
0x44: {  	[sflag:s11] =	ssyncadd.s32 $0xFFFFFE00  }
0x45: {  	_ =	swait.ge [sflag:s12], $0x400  }
0x46: {  	[sflag:s12] =	ssyncset.done $0x0  }
0x47: {  	[sflag:s12] =	ssyncadd.s32 $0xFFFFFC00  }
0x48: {  	[bflag:$0x0] =	sbarrier.arrive $0xFFFF  }
0x49: {  	[tilespmem:s14], [sflag:$0x2] =	stream.indirect.gather [spmem:s1], $0x80, s2, s13, $0xb8;
	[tilespmem:$0x12180] =	vst v63  }
0x4a: {  	_ = 	snop  }
0x4b: {  	[tilespmem:s15], [sflag:$0x2] =	stream.indirect.gather [spmem:s1], $0x80, s13, s13, $0xb8;
	[tilespmem:$0x12180] =	vst v63  }
0x4c: {  	_ = 	snop  }
0x4d: {  	[tilespmem:s17], [sflag:$0x2] =	stream.indirect.gather [spmem:s1], $0x80, s16, s13, $0xb8;
	[tilespmem:$0x12180] =	vst v63  }
0x4e: {  	_ = 	snop  }
0x4f: {  	[tilespmem:s19], [sflag:$0x2] =	stream.indirect.gather [spmem:s1], $0x80, s18, s13, $0xb8;
	[tilespmem:$0x12180] =	vst v63  }
0x50: {  	_ =	swait.ge [sflag:s20], $0x4000  }
0x51: {  	[sflag:s20] =	ssyncset.done $0x0  }
0x52: {  	[sflag:s20] =	ssyncadd.s32 $0xFFFFC000  }
0x53: {  	[hbm4b:s21+s2] =	stream.linear.scatter [tilespmem:s14], [sflag:$0x3], $0x4000, $0x38;
	[tilespmem:$0x12180] =	vst v63  }
0x54: {  	_ =	swait.ge [sflag:s20], $0x4000  }
0x55: {  	[sflag:s20] =	ssyncset.done $0x0  }
0x56: {  	[sflag:s20] =	ssyncadd.s32 $0xFFFFC000  }
0x57: {  	[hbm4b:s22+s2] =	stream.linear.scatter [tilespmem:s15], [sflag:$0x3], $0x4000, $0x38;
	[tilespmem:$0x12180] =	vst v63  }
0x58: {  	_ =	swait.ge [sflag:s20], $0x4000  }
0x59: {  	[sflag:s20] =	ssyncset.done $0x0  }
0x5a: {  	[sflag:s20] =	ssyncadd.s32 $0xFFFFC000  }
0x5b: {  	[hbm4b:s23+s2] =	stream.linear.scatter [tilespmem:s17], [sflag:$0x3], $0x4000, $0x38;
	[tilespmem:$0x12180] =	vst v63  }
0x5c: {  	_ =	swait.ge [sflag:s20], $0x4000  }
0x5d: {  	[sflag:s20] =	ssyncset.done $0x0  }
0x5e: {  	[sflag:s20] =	ssyncadd.s32 $0xFFFFC000  }
0x5f: {  	[hbm4b:s24+s2] =	stream.linear.scatter [tilespmem:s19], [sflag:$0x3], $0x4000, $0x38;
	[tilespmem:$0x12180] =	vst v63  }
0x60: {  	_ =	swait.ge [sflag:s25], $0x4000  }
0x61: {  	[sflag:s25] =	ssyncset.done $0x0  }
0x62: {  	[sflag:s25] =	ssyncadd.s32 $0xFFFFC000  }
0x63: {  	_ =	swait.ge [sflag:s25], $0x4000  }
0x64: {  	[sflag:s25] =	ssyncset.done $0x0  }
0x65: {  	[sflag:s25] =	ssyncadd.s32 $0xFFFFC000  }
.Ltmp1:
0x66: {  	_ =	swait.ge [sflag:s25], $0x4000;
	(pc) =	sbr.rel @p1 .LBB2_1-.Ltmp1, $4  }
0x67: {  	[sflag:s25] =	ssyncset.done $0x0  }
0x68: {  	[sflag:s25] =	ssyncadd.s32 $0xFFFFC000  }
0x69: {  	_ =	swait.ge [sflag:s25], $0x4000  }
0x6a: {  	[sflag:s25] =	ssyncset.done $0x0  }
.LBB2_2:
0x6b: {  	[sflag:s25] =	ssyncadd.s32 $0xFFFFC000  }
0x6c: {  	_ =	sfence.sel $0x180000  }
0x6d: {  	[bflag:$0x0] =	sbarrier.arrive $0xFFFF  }
0x6e: {  	_ =	strace $0x90000047  }
0x6f: {  	s0 =	sadd.s32 @!p0 $0x100000, s0;
	[bflag:$0x2] =	sbarrier.arrive $0xFFFF  }
0x70: {  	[sflag:s0] =	ssyncadd.tile.s32 @!p0 $0x1;
	_ =	shalt  }
.Lfunc_end2:
_tile_overlayer_lowered:
.L_overlay_start_2:
0x71: {  	(tag) =	ssettag $0x2  }
0x72: {  	s0 =	rddreg [dreg:$0x0];
	s2 =	stileid.u32  }
0x73: {  	s1 =	rddreg [dreg:$0x1];
	p0 =	sne.s32 s2, $0x0  }
0x74: {  	s3 =	rddreg [dreg:$0x2];
	[bflag:$0x3] =	sbarrier.arrive $0xFFFF;
	s2 =	simm.s32 @!p0 $0x1C04  }
0x75: {  	[timem:s3], [sflag:s2] =	dma.local @!p0 [hbm:s0], s1  }
0x76: {  	s0 =	simm.s32 @!p0 $0x4  }
0x77: {  	_ =	swait.ge @!p0 [sflag:s0], s1  }
0x78: {  	s1 =	ssub.s32 @!p0 $0x0, s1;
	[sflag:s0] =	ssyncset.done @!p0 $0x0  }
0x79: {  	[sflag:s0] =	ssyncadd.s32 @!p0 s1  }
0x7a: {  	[bflag:$0x3] =	sbarrier.arrive $0xFFFF  }
0x7b: {  	_ =	shalt  }

</sc_bundles>
